<compile_context>
chip_gen: v7x
topology: tpu7x:2x2x1
jax: 0.10.2.dev20260603
libtpu: 0.0.44.dev20260713+nightly
codegen_flags: <defaults>
</compile_context>

<pallas_src>
import functools

import jax
import jax.numpy as jnp
from jax import lax
from jax.experimental import pallas as pl
from jax.experimental.pallas import tpu as pltpu
from jax.experimental.pallas import tpu_sc as plsc

_D = 16
_P = 325
_NBUF = 4
_BPW = 32


def kernel(inputs):
    B, F, D = inputs.shape
    mesh = plsc.VectorSubcoreMesh(core_axis_name="c", subcore_axis_name="s")

    @functools.partial(
        pl.kernel,
        out_type=jax.ShapeDtypeStruct((B, _D, _D, _P), jnp.float32),
        mesh=mesh,
        scratch_types=[
            [pltpu.VMEM((1, 4, _D, _P), jnp.float32) for _ in range(_NBUF)],
            [pltpu.SemaphoreType.DMA for _ in range(_NBUF)],
        ],
    )
    def run(x_hbm, out_hbm, bufs, sems):
        cid = lax.axis_index("c")
        base = lax.axis_index("s") * _BPW

        @pl.when(cid == 0)
        def _():
            def start(j, k):
                pltpu.make_async_copy(
                    bufs[k],
                    out_hbm.at[pl.ds(base + j, 1), pl.ds(k * 4, 4)],
                    sems[k],
                ).start()

            def wait(j, k):
                pltpu.make_async_copy(
                    bufs[k],
                    out_hbm.at[pl.ds(base + j, 1), pl.ds(k * 4, 4)],
                    sems[k],
                ).wait()

            for k in range(_NBUF):
                start(0, k)

            def step(j, carry):
                for k in range(_NBUF):
                    wait(j - 1, k)
                    start(j, k)
                return carry

            lax.fori_loop(1, _BPW, step, 0)
            for k in range(_NBUF):
                wait(_BPW - 1, k)

    return run(inputs)

# --- scband reference (transcript-rebuilt; emitter-appended) ---
"""Pipeline reference for scband-interaction-cube-47021301957263 (READ-ONLY COPY).

The authoritative reference and input builder live on the scoring server;
editing this copy changes nothing except your own understanding.
"""

import jax, jax.numpy as jnp
import numpy as np


def setup_inputs(seed: int = 0) -> dict:
    key = jax.random.key(seed)
    inputs = jax.random.normal(key, (1024, 26, 16), dtype=jnp.float32)
    return {"inputs": inputs}


def reference(inputs):
    B, F, D = inputs.shape
    pair_wise_index = jnp.asarray(
        np.array([[i, j] for i in range(F - 1) for j in range(i + 1, F)], dtype=np.int32)
    )  # [P, 2]
    embeddings = jnp.transpose(inputs, (1, 0, 2))  # [F, B, D]
    pair_embeddings = jnp.take(embeddings, pair_wise_index, axis=0)  # [P, 2, B, D]
    pair_embeddings = jnp.transpose(pair_embeddings, (2, 0, 1, 3))  # [B, P, 2, D]
    split_a = pair_embeddings[:, :, 0, :]  # [B, P, D]
    split_b = pair_embeddings[:, :, 1, :]  # [B, P, D]
    split_a = split_a[..., :, None]  # [B, P, D, 1]
    split_b = split_b[..., None, :]  # [B, P, 1, D]
    outer_product = jnp.matmul(split_a, split_b)  # [B, P, D, D]
    outer_product = jnp.transpose(outer_product, (0, 2, 3, 1))  # [B, D, D, P]
    return outer_product

if __name__ == "__main__":
    import jax
    _d = setup_inputs()
    print(jax.jit(kernel)(*tuple(_d.values())))

</pallas_src>

<mosaic_0001>
#map = affine_map<(d0, d1) -> (0, 0, 0)>
#map1 = affine_map<(d0, d1) -> (0, 0, 0, 0)>
module attributes {stable_mosaic.version = 14 : i64} {
  func.func @run(%arg0: i32, %arg1: i32, %arg2: memref<1024x26x16xf32, #tpu.memory_space<hbm>>, %arg3: memref<1024x16x16x325xf32, #tpu.memory_space<hbm>>, %arg4: memref<1x4x16x325xf32, #tpu.memory_space<vmem>>, %arg5: memref<1x4x16x325xf32, #tpu.memory_space<vmem>>, %arg6: memref<1x4x16x325xf32, #tpu.memory_space<vmem>>, %arg7: memref<1x4x16x325xf32, #tpu.memory_space<vmem>>, %arg8: memref<!tpu.dma_semaphore, #tpu.memory_space<semaphore_mem>>, %arg9: memref<!tpu.dma_semaphore, #tpu.memory_space<semaphore_mem>>, %arg10: memref<!tpu.dma_semaphore, #tpu.memory_space<semaphore_mem>>, %arg11: memref<!tpu.dma_semaphore, #tpu.memory_space<semaphore_mem>>) attributes {dimension_semantics = [#tpu.dimension_semantics<core_parallel>, #tpu.dimension_semantics<subcore_parallel>], iteration_bounds = array<i64: 2, 16>, scalar_prefetch = 0 : i64, scratch_operands = 8 : i64, tpu.core_type = #tpu.core_type<sc_vector_subcore>, window_params = [{transform_indices = #map}, {transform_indices = #map1}]} {
    %mul3A = arith.constant 32 : i32
    %mul3A_0 = arith.muli %arg1, %mul3A : i32
    %eq3A = arith.constant 0 : i32
    %eq3A_1 = arith.cmpi eq, %arg0, %eq3A : i32
    %convert_element_type3A = arith.extui %eq3A_1 : i1 to i32
    %cond3A = arith.constant 0 : i32
    %cond3A_2 = arith.cmpi ne, %convert_element_type3A, %cond3A : i32
    scf.if %cond3A_2 {
      %add3A = arith.constant 0 : i32
      %add3A_3 = arith.addi %mul3A_0, %add3A : i32
      %dma_start3A = arith.constant 0 : i32
      %dma_start3A_4 = arith.constant 0 : i32
      %dma_start3A_5 = arith.constant 0 : i32
      %dma_start3A_6 = tpu.memref_slice %arg3[%add3A_3, %dma_start3A, %dma_start3A_4, %dma_start3A_5] : memref<1024x16x16x325xf32, #tpu.memory_space<hbm>> -> memref<1x4x16x325xf32, #tpu.memory_space<hbm>>
      %dma_start3A_7 = arith.constant 0 : i32
      %dma_start3A_8 = arith.constant 0 : i32
      %dma_start3A_9 = arith.constant 0 : i32
      %dma_start3A_10 = tpu.memref_slice %arg3[%add3A_3, %dma_start3A_7, %dma_start3A_8, %dma_start3A_9] : memref<1024x16x16x325xf32, #tpu.memory_space<hbm>> -> memref<1x4x16x325xf32, #tpu.memory_space<hbm>>
      tpu.enqueue_dma source(%arg4 : memref<1x4x16x325xf32, #tpu.memory_space<vmem>>) target(%dma_start3A_10 : memref<1x4x16x325xf32, #tpu.memory_space<hbm>>) target_semaphore(%arg8 : memref<!tpu.dma_semaphore, #tpu.memory_space<semaphore_mem>>)
      %add3A_11 = arith.constant 0 : i32
      %add3A_12 = arith.addi %mul3A_0, %add3A_11 : i32
      %dma_start3A_13 = arith.constant 4 : i32
      %dma_start3A_14 = arith.constant 0 : i32
      %dma_start3A_15 = arith.constant 0 : i32
      %dma_start3A_16 = tpu.memref_slice %arg3[%add3A_12, %dma_start3A_13, %dma_start3A_14, %dma_start3A_15] : memref<1024x16x16x325xf32, #tpu.memory_space<hbm>> -> memref<1x4x16x325xf32, #tpu.memory_space<hbm>>
      %dma_start3A_17 = arith.constant 4 : i32
      %dma_start3A_18 = arith.constant 0 : i32
      %dma_start3A_19 = arith.constant 0 : i32
      %dma_start3A_20 = tpu.memref_slice %arg3[%add3A_12, %dma_start3A_17, %dma_start3A_18, %dma_start3A_19] : memref<1024x16x16x325xf32, #tpu.memory_space<hbm>> -> memref<1x4x16x325xf32, #tpu.memory_space<hbm>>
      tpu.enqueue_dma source(%arg5 : memref<1x4x16x325xf32, #tpu.memory_space<vmem>>) target(%dma_start3A_20 : memref<1x4x16x325xf32, #tpu.memory_space<hbm>>) target_semaphore(%arg9 : memref<!tpu.dma_semaphore, #tpu.memory_space<semaphore_mem>>)
      %add3A_21 = arith.constant 0 : i32
      %add3A_22 = arith.addi %mul3A_0, %add3A_21 : i32
      %dma_start3A_23 = arith.constant 8 : i32
      %dma_start3A_24 = arith.constant 0 : i32
      %dma_start3A_25 = arith.constant 0 : i32
      %dma_start3A_26 = tpu.memref_slice %arg3[%add3A_22, %dma_start3A_23, %dma_start3A_24, %dma_start3A_25] : memref<1024x16x16x325xf32, #tpu.memory_space<hbm>> -> memref<1x4x16x325xf32, #tpu.memory_space<hbm>>
      %dma_start3A_27 = arith.constant 8 : i32
      %dma_start3A_28 = arith.constant 0 : i32
      %dma_start3A_29 = arith.constant 0 : i32
      %dma_start3A_30 = tpu.memref_slice %arg3[%add3A_22, %dma_start3A_27, %dma_start3A_28, %dma_start3A_29] : memref<1024x16x16x325xf32, #tpu.memory_space<hbm>> -> memref<1x4x16x325xf32, #tpu.memory_space<hbm>>
      tpu.enqueue_dma source(%arg6 : memref<1x4x16x325xf32, #tpu.memory_space<vmem>>) target(%dma_start3A_30 : memref<1x4x16x325xf32, #tpu.memory_space<hbm>>) target_semaphore(%arg10 : memref<!tpu.dma_semaphore, #tpu.memory_space<semaphore_mem>>)
      %add3A_31 = arith.constant 0 : i32
      %add3A_32 = arith.addi %mul3A_0, %add3A_31 : i32
      %dma_start3A_33 = arith.constant 12 : i32
      %dma_start3A_34 = arith.constant 0 : i32
      %dma_start3A_35 = arith.constant 0 : i32
      %dma_start3A_36 = tpu.memref_slice %arg3[%add3A_32, %dma_start3A_33, %dma_start3A_34, %dma_start3A_35] : memref<1024x16x16x325xf32, #tpu.memory_space<hbm>> -> memref<1x4x16x325xf32, #tpu.memory_space<hbm>>
      %dma_start3A_37 = arith.constant 12 : i32
      %dma_start3A_38 = arith.constant 0 : i32
      %dma_start3A_39 = arith.constant 0 : i32
      %dma_start3A_40 = tpu.memref_slice %arg3[%add3A_32, %dma_start3A_37, %dma_start3A_38, %dma_start3A_39] : memref<1024x16x16x325xf32, #tpu.memory_space<hbm>> -> memref<1x4x16x325xf32, #tpu.memory_space<hbm>>
      tpu.enqueue_dma source(%arg7 : memref<1x4x16x325xf32, #tpu.memory_space<vmem>>) target(%dma_start3A_40 : memref<1x4x16x325xf32, #tpu.memory_space<hbm>>) target_semaphore(%arg11 : memref<!tpu.dma_semaphore, #tpu.memory_space<semaphore_mem>>)
      %scan3A = arith.constant 0 : i32
      %scan3A_41 = arith.constant 1 : i32
      %scan3A_42 = arith.constant 31 : i32
      %scan3A_43 = arith.addi %scan3A_41, %scan3A_42 : i32
      %scan3A_44 = arith.constant 1 : i32
      scf.for %scan3A_85 = %scan3A_41 to %scan3A_43 step %scan3A_44  : i32 {
        %sub3A = arith.constant 1 : i32
        %sub3A_86 = arith.subi %scan3A_85, %sub3A : i32
        %add3A_87 = arith.addi %mul3A_0, %sub3A_86 : i32
        %dma_wait3A_88 = arith.constant 0 : i32
        %dma_wait3A_89 = arith.constant 0 : i32
        %dma_wait3A_90 = arith.constant 0 : i32
        %dma_wait3A_91 = tpu.memref_slice %arg3[%add3A_87, %dma_wait3A_88, %dma_wait3A_89, %dma_wait3A_90] : memref<1024x16x16x325xf32, #tpu.memory_space<hbm>> -> memref<1x4x16x325xf32, #tpu.memory_space<hbm>>
        %dma_wait3A_92 = arith.constant 0 : i32
        %dma_wait3A_93 = arith.constant 0 : i32
        %dma_wait3A_94 = arith.constant 0 : i32
        %dma_wait3A_95 = tpu.memref_slice %arg3[%add3A_87, %dma_wait3A_92, %dma_wait3A_93, %dma_wait3A_94] : memref<1024x16x16x325xf32, #tpu.memory_space<hbm>> -> memref<1x4x16x325xf32, #tpu.memory_space<hbm>>
        tpu.wait_dma2 semaphore(%arg8 : memref<!tpu.dma_semaphore, #tpu.memory_space<semaphore_mem>>) src(%arg4 : memref<1x4x16x325xf32, #tpu.memory_space<vmem>>) dst(%dma_wait3A_95 : memref<1x4x16x325xf32, #tpu.memory_space<hbm>>)
        %add3A_96 = arith.addi %mul3A_0, %scan3A_85 : i32
        %dma_start3A_97 = arith.constant 0 : i32
        %dma_start3A_98 = arith.constant 0 : i32
        %dma_start3A_99 = arith.constant 0 : i32
        %dma_start3A_100 = tpu.memref_slice %arg3[%add3A_96, %dma_start3A_97, %dma_start3A_98, %dma_start3A_99] : memref<1024x16x16x325xf32, #tpu.memory_space<hbm>> -> memref<1x4x16x325xf32, #tpu.memory_space<hbm>>
        %dma_start3A_101 = arith.constant 0 : i32
        %dma_start3A_102 = arith.constant 0 : i32
        %dma_start3A_103 = arith.constant 0 : i32
        %dma_start3A_104 = tpu.memref_slice %arg3[%add3A_96, %dma_start3A_101, %dma_start3A_102, %dma_start3A_103] : memref<1024x16x16x325xf32, #tpu.memory_space<hbm>> -> memref<1x4x16x325xf32, #tpu.memory_space<hbm>>
        tpu.enqueue_dma source(%arg4 : memref<1x4x16x325xf32, #tpu.memory_space<vmem>>) target(%dma_start3A_104 : memref<1x4x16x325xf32, #tpu.memory_space<hbm>>) target_semaphore(%arg8 : memref<!tpu.dma_semaphore, #tpu.memory_space<semaphore_mem>>)
        %sub3A_105 = arith.constant 1 : i32
        %sub3A_106 = arith.subi %scan3A_85, %sub3A_105 : i32
        %add3A_107 = arith.addi %mul3A_0, %sub3A_106 : i32
        %dma_wait3A_108 = arith.constant 4 : i32
        %dma_wait3A_109 = arith.constant 0 : i32
        %dma_wait3A_110 = arith.constant 0 : i32
        %dma_wait3A_111 = tpu.memref_slice %arg3[%add3A_107, %dma_wait3A_108, %dma_wait3A_109, %dma_wait3A_110] : memref<1024x16x16x325xf32, #tpu.memory_space<hbm>> -> memref<1x4x16x325xf32, #tpu.memory_space<hbm>>
        %dma_wait3A_112 = arith.constant 4 : i32
        %dma_wait3A_113 = arith.constant 0 : i32
        %dma_wait3A_114 = arith.constant 0 : i32
        %dma_wait3A_115 = tpu.memref_slice %arg3[%add3A_107, %dma_wait3A_112, %dma_wait3A_113, %dma_wait3A_114] : memref<1024x16x16x325xf32, #tpu.memory_space<hbm>> -> memref<1x4x16x325xf32, #tpu.memory_space<hbm>>
        tpu.wait_dma2 semaphore(%arg9 : memref<!tpu.dma_semaphore, #tpu.memory_space<semaphore_mem>>) src(%arg5 : memref<1x4x16x325xf32, #tpu.memory_space<vmem>>) dst(%dma_wait3A_115 : memref<1x4x16x325xf32, #tpu.memory_space<hbm>>)
        %add3A_116 = arith.addi %mul3A_0, %scan3A_85 : i32
        %dma_start3A_117 = arith.constant 4 : i32
        %dma_start3A_118 = arith.constant 0 : i32
        %dma_start3A_119 = arith.constant 0 : i32
        %dma_start3A_120 = tpu.memref_slice %arg3[%add3A_116, %dma_start3A_117, %dma_start3A_118, %dma_start3A_119] : memref<1024x16x16x325xf32, #tpu.memory_space<hbm>> -> memref<1x4x16x325xf32, #tpu.memory_space<hbm>>
        %dma_start3A_121 = arith.constant 4 : i32
        %dma_start3A_122 = arith.constant 0 : i32
        %dma_start3A_123 = arith.constant 0 : i32
        %dma_start3A_124 = tpu.memref_slice %arg3[%add3A_116, %dma_start3A_121, %dma_start3A_122, %dma_start3A_123] : memref<1024x16x16x325xf32, #tpu.memory_space<hbm>> -> memref<1x4x16x325xf32, #tpu.memory_space<hbm>>
        tpu.enqueue_dma source(%arg5 : memref<1x4x16x325xf32, #tpu.memory_space<vmem>>) target(%dma_start3A_124 : memref<1x4x16x325xf32, #tpu.memory_space<hbm>>) target_semaphore(%arg9 : memref<!tpu.dma_semaphore, #tpu.memory_space<semaphore_mem>>)
        %sub3A_125 = arith.constant 1 : i32
        %sub3A_126 = arith.subi %scan3A_85, %sub3A_125 : i32
        %add3A_127 = arith.addi %mul3A_0, %sub3A_126 : i32
        %dma_wait3A_128 = arith.constant 8 : i32
        %dma_wait3A_129 = arith.constant 0 : i32
        %dma_wait3A_130 = arith.constant 0 : i32
        %dma_wait3A_131 = tpu.memref_slice %arg3[%add3A_127, %dma_wait3A_128, %dma_wait3A_129, %dma_wait3A_130] : memref<1024x16x16x325xf32, #tpu.memory_space<hbm>> -> memref<1x4x16x325xf32, #tpu.memory_space<hbm>>
        %dma_wait3A_132 = arith.constant 8 : i32
        %dma_wait3A_133 = arith.constant 0 : i32
        %dma_wait3A_134 = arith.constant 0 : i32
        %dma_wait3A_135 = tpu.memref_slice %arg3[%add3A_127, %dma_wait3A_132, %dma_wait3A_133, %dma_wait3A_134] : memref<1024x16x16x325xf32, #tpu.memory_space<hbm>> -> memref<1x4x16x325xf32, #tpu.memory_space<hbm>>
        tpu.wait_dma2 semaphore(%arg10 : memref<!tpu.dma_semaphore, #tpu.memory_space<semaphore_mem>>) src(%arg6 : memref<1x4x16x325xf32, #tpu.memory_space<vmem>>) dst(%dma_wait3A_135 : memref<1x4x16x325xf32, #tpu.memory_space<hbm>>)
        %add3A_136 = arith.addi %mul3A_0, %scan3A_85 : i32
        %dma_start3A_137 = arith.constant 8 : i32
        %dma_start3A_138 = arith.constant 0 : i32
        %dma_start3A_139 = arith.constant 0 : i32
        %dma_start3A_140 = tpu.memref_slice %arg3[%add3A_136, %dma_start3A_137, %dma_start3A_138, %dma_start3A_139] : memref<1024x16x16x325xf32, #tpu.memory_space<hbm>> -> memref<1x4x16x325xf32, #tpu.memory_space<hbm>>
        %dma_start3A_141 = arith.constant 8 : i32
        %dma_start3A_142 = arith.constant 0 : i32
        %dma_start3A_143 = arith.constant 0 : i32
        %dma_start3A_144 = tpu.memref_slice %arg3[%add3A_136, %dma_start3A_141, %dma_start3A_142, %dma_start3A_143] : memref<1024x16x16x325xf32, #tpu.memory_space<hbm>> -> memref<1x4x16x325xf32, #tpu.memory_space<hbm>>
        tpu.enqueue_dma source(%arg6 : memref<1x4x16x325xf32, #tpu.memory_space<vmem>>) target(%dma_start3A_144 : memref<1x4x16x325xf32, #tpu.memory_space<hbm>>) target_semaphore(%arg10 : memref<!tpu.dma_semaphore, #tpu.memory_space<semaphore_mem>>)
        %sub3A_145 = arith.constant 1 : i32
        %sub3A_146 = arith.subi %scan3A_85, %sub3A_145 : i32
        %add3A_147 = arith.addi %mul3A_0, %sub3A_146 : i32
        %dma_wait3A_148 = arith.constant 12 : i32
        %dma_wait3A_149 = arith.constant 0 : i32
        %dma_wait3A_150 = arith.constant 0 : i32
        %dma_wait3A_151 = tpu.memref_slice %arg3[%add3A_147, %dma_wait3A_148, %dma_wait3A_149, %dma_wait3A_150] : memref<1024x16x16x325xf32, #tpu.memory_space<hbm>> -> memref<1x4x16x325xf32, #tpu.memory_space<hbm>>
        %dma_wait3A_152 = arith.constant 12 : i32
        %dma_wait3A_153 = arith.constant 0 : i32
        %dma_wait3A_154 = arith.constant 0 : i32
        %dma_wait3A_155 = tpu.memref_slice %arg3[%add3A_147, %dma_wait3A_152, %dma_wait3A_153, %dma_wait3A_154] : memref<1024x16x16x325xf32, #tpu.memory_space<hbm>> -> memref<1x4x16x325xf32, #tpu.memory_space<hbm>>
        tpu.wait_dma2 semaphore(%arg11 : memref<!tpu.dma_semaphore, #tpu.memory_space<semaphore_mem>>) src(%arg7 : memref<1x4x16x325xf32, #tpu.memory_space<vmem>>) dst(%dma_wait3A_155 : memref<1x4x16x325xf32, #tpu.memory_space<hbm>>)
        %add3A_156 = arith.addi %mul3A_0, %scan3A_85 : i32
        %dma_start3A_157 = arith.constant 12 : i32
        %dma_start3A_158 = arith.constant 0 : i32
        %dma_start3A_159 = arith.constant 0 : i32
        %dma_start3A_160 = tpu.memref_slice %arg3[%add3A_156, %dma_start3A_157, %dma_start3A_158, %dma_start3A_159] : memref<1024x16x16x325xf32, #tpu.memory_space<hbm>> -> memref<1x4x16x325xf32, #tpu.memory_space<hbm>>
        %dma_start3A_161 = arith.constant 12 : i32
        %dma_start3A_162 = arith.constant 0 : i32
        %dma_start3A_163 = arith.constant 0 : i32
        %dma_start3A_164 = tpu.memref_slice %arg3[%add3A_156, %dma_start3A_161, %dma_start3A_162, %dma_start3A_163] : memref<1024x16x16x325xf32, #tpu.memory_space<hbm>> -> memref<1x4x16x325xf32, #tpu.memory_space<hbm>>
        tpu.enqueue_dma source(%arg7 : memref<1x4x16x325xf32, #tpu.memory_space<vmem>>) target(%dma_start3A_164 : memref<1x4x16x325xf32, #tpu.memory_space<hbm>>) target_semaphore(%arg11 : memref<!tpu.dma_semaphore, #tpu.memory_space<semaphore_mem>>)
      }
      %scan3A_45 = arith.constant 31 : i32
      %add3A_46 = arith.constant 31 : i32
      %add3A_47 = arith.addi %mul3A_0, %add3A_46 : i32
      %dma_wait3A = arith.constant 0 : i32
      %dma_wait3A_48 = arith.constant 0 : i32
      %dma_wait3A_49 = arith.constant 0 : i32
      %dma_wait3A_50 = tpu.memref_slice %arg3[%add3A_47, %dma_wait3A, %dma_wait3A_48, %dma_wait3A_49] : memref<1024x16x16x325xf32, #tpu.memory_space<hbm>> -> memref<1x4x16x325xf32, #tpu.memory_space<hbm>>
      %dma_wait3A_51 = arith.constant 0 : i32
      %dma_wait3A_52 = arith.constant 0 : i32
      %dma_wait3A_53 = arith.constant 0 : i32
      %dma_wait3A_54 = tpu.memref_slice %arg3[%add3A_47, %dma_wait3A_51, %dma_wait3A_52, %dma_wait3A_53] : memref<1024x16x16x325xf32, #tpu.memory_space<hbm>> -> memref<1x4x16x325xf32, #tpu.memory_space<hbm>>
      tpu.wait_dma2 semaphore(%arg8 : memref<!tpu.dma_semaphore, #tpu.memory_space<semaphore_mem>>) src(%arg4 : memref<1x4x16x325xf32, #tpu.memory_space<vmem>>) dst(%dma_wait3A_54 : memref<1x4x16x325xf32, #tpu.memory_space<hbm>>)
      %add3A_55 = arith.constant 31 : i32
      %add3A_56 = arith.addi %mul3A_0, %add3A_55 : i32
      %dma_wait3A_57 = arith.constant 4 : i32
      %dma_wait3A_58 = arith.constant 0 : i32
      %dma_wait3A_59 = arith.constant 0 : i32
      %dma_wait3A_60 = tpu.memref_slice %arg3[%add3A_56, %dma_wait3A_57, %dma_wait3A_58, %dma_wait3A_59] : memref<1024x16x16x325xf32, #tpu.memory_space<hbm>> -> memref<1x4x16x325xf32, #tpu.memory_space<hbm>>
      %dma_wait3A_61 = arith.constant 4 : i32
      %dma_wait3A_62 = arith.constant 0 : i32
      %dma_wait3A_63 = arith.constant 0 : i32
      %dma_wait3A_64 = tpu.memref_slice %arg3[%add3A_56, %dma_wait3A_61, %dma_wait3A_62, %dma_wait3A_63] : memref<1024x16x16x325xf32, #tpu.memory_space<hbm>> -> memref<1x4x16x325xf32, #tpu.memory_space<hbm>>
      tpu.wait_dma2 semaphore(%arg9 : memref<!tpu.dma_semaphore, #tpu.memory_space<semaphore_mem>>) src(%arg5 : memref<1x4x16x325xf32, #tpu.memory_space<vmem>>) dst(%dma_wait3A_64 : memref<1x4x16x325xf32, #tpu.memory_space<hbm>>)
      %add3A_65 = arith.constant 31 : i32
      %add3A_66 = arith.addi %mul3A_0, %add3A_65 : i32
      %dma_wait3A_67 = arith.constant 8 : i32
      %dma_wait3A_68 = arith.constant 0 : i32
      %dma_wait3A_69 = arith.constant 0 : i32
      %dma_wait3A_70 = tpu.memref_slice %arg3[%add3A_66, %dma_wait3A_67, %dma_wait3A_68, %dma_wait3A_69] : memref<1024x16x16x325xf32, #tpu.memory_space<hbm>> -> memref<1x4x16x325xf32, #tpu.memory_space<hbm>>
      %dma_wait3A_71 = arith.constant 8 : i32
      %dma_wait3A_72 = arith.constant 0 : i32
      %dma_wait3A_73 = arith.constant 0 : i32
      %dma_wait3A_74 = tpu.memref_slice %arg3[%add3A_66, %dma_wait3A_71, %dma_wait3A_72, %dma_wait3A_73] : memref<1024x16x16x325xf32, #tpu.memory_space<hbm>> -> memref<1x4x16x325xf32, #tpu.memory_space<hbm>>
      tpu.wait_dma2 semaphore(%arg10 : memref<!tpu.dma_semaphore, #tpu.memory_space<semaphore_mem>>) src(%arg6 : memref<1x4x16x325xf32, #tpu.memory_space<vmem>>) dst(%dma_wait3A_74 : memref<1x4x16x325xf32, #tpu.memory_space<hbm>>)
      %add3A_75 = arith.constant 31 : i32
      %add3A_76 = arith.addi %mul3A_0, %add3A_75 : i32
      %dma_wait3A_77 = arith.constant 12 : i32
      %dma_wait3A_78 = arith.constant 0 : i32
      %dma_wait3A_79 = arith.constant 0 : i32
      %dma_wait3A_80 = tpu.memref_slice %arg3[%add3A_76, %dma_wait3A_77, %dma_wait3A_78, %dma_wait3A_79] : memref<1024x16x16x325xf32, #tpu.memory_space<hbm>> -> memref<1x4x16x325xf32, #tpu.memory_space<hbm>>
      %dma_wait3A_81 = arith.constant 12 : i32
      %dma_wait3A_82 = arith.constant 0 : i32
      %dma_wait3A_83 = arith.constant 0 : i32
      %dma_wait3A_84 = tpu.memref_slice %arg3[%add3A_76, %dma_wait3A_81, %dma_wait3A_82, %dma_wait3A_83] : memref<1024x16x16x325xf32, #tpu.memory_space<hbm>> -> memref<1x4x16x325xf32, #tpu.memory_space<hbm>>
      tpu.wait_dma2 semaphore(%arg11 : memref<!tpu.dma_semaphore, #tpu.memory_space<semaphore_mem>>) src(%arg7 : memref<1x4x16x325xf32, #tpu.memory_space<vmem>>) dst(%dma_wait3A_84 : memref<1x4x16x325xf32, #tpu.memory_space<hbm>>)
    } else {
    }
    return
  }
}

</mosaic_0001>

<sc_bundles>
// kernel: kernel.3.cloned.1.call-start
scs
__scs_entry_jumppad:
0x0: {  	(pc) =	sbr.rel $0x88, $3  }
0x1: {  	(tag) =	ssettag $0x0;
	lr =	simm.s32 $0x1  }
0x2: {  	[smem:$0x3FA0] =	sst lr;
	_ =	strace $0xD0000000  }
0x3: {  	_ = 	snop  }
0x4: {  	_ = 	snop  }
0x5: {  	_ = 	snop  }
0x6: {  	_ = 	snop  }
0x7: {  	_ = 	snop  }
__scs_overlays_trampoline_lowered:
0x8: {  	[smem:$0x3FAF] =	sst s0  }
0x9: {  	[smem:$0x3FB0] =	sst s1  }
0xa: {  	[smem:$0x3FB1] =	sst s2  }
0xb: {  	[smem:$0x3FB2] =	sst s3  }
0xc: {  	[smem:$0x3FB3] =	sst s4  }
0xd: {  	[smem:$0x3FB4] =	sst s5  }
0xe: {  	[smem:$0x3FB5] =	sst s6  }
0xf: {  	[smem:$0x3FB6] =	sst s7  }
0x10: {  	[smem:$0x3FB7] =	sst s8  }
0x11: {  	[smem:$0x3FB8] =	sst s9;
	s0 =	simm.s32 @!p0 $0x0  }
0x12: {  	s1 =	sld [smem:$0x3F9E];
	s0 =	simm.s32 @p0 $0x1  }
0x13: {  	[smem:$0x3FB9] =	sst s0;
	s0 =	simm.s32 @!p1 $0x0  }
0x14: {  	s2 =	sld [smem:$0x3F9D];
	s0 =	simm.s32 @p1 $0x1  }
0x15: {  	[smem:$0x3FBA] =	sst s0;
	s0 =	simm.s32 @!p2 $0x0  }
0x16: {  	s3 =	sld [smem:$0x3FDB];
	s0 =	simm.s32 @p2 $0x1  }
0x17: {  	s4 =	simm.s32 $0x1BF5;
	[smem:$0x3FBC] =	sst s0  }
0x18: {  	s0 =	sld [smem:$0x3F9F];
	_ =	swait.ge [sflag:s4], $0x0  }
0x19: {  	s7 =	sld [smem:$0x3FA0]  }
0x1a: {  	s8 =	sadd.s32 $0xFFFFE003, lr  }
0x1b: {  	s9 =	sadd.s32 $0xFFFFFEF7, lr;
	s5 =	simm.s32 $0xFFFFFFFF;
	p2 =	slt.u32 s8, $0xFFFFF086  }
0x1c: {  	p1 =	slt.u32 s9, $0xF7A;
	s5 =	simm.s32 @!p2 $0x0  }
0x1d: {  	s5 =	simm.s32 @p1 $0x1;
	p0 =	seq.s32 s7, s2  }
0x1e: {  	s7 =	smul.u32 @!p0 $0xF7A, s2;
	p2 =	seq.s32 @!p0 s5, $0x0  }
0x1f: {  	s9 =	smul.u32 $0xF7A, s1;
	s8 =	simm.s32 @!p0 $0x1BF5;
	p2 =	por !p2, p0  }
0x20: {  	[sflag:s8] =	ssyncset.s32 @!p0 $0xFFFFF086;
	s6 =	sadd.s32 @!p0 s3, s7;
	s7 =	simm.s32 @!p0 $0x108  }
0x21: {  	s3 =	sadd.s32 s3, s9;
	s6 =	sadd.s32 @!p0 $0x88, s6;
	s7 =	simm.s32 @p2 $0x1082  }
0x22: {  	[simem:s7], [sflag:s8] =	dma.local @!p0 [hbm:s6], $0xF7A  }
0x23: {  	s9 =	sor.u32 $0xD0000000, s2;
	s6 =	simm.s32 $0x108;
	_ =	swait.ge @!p0 [sflag:s8], $0x0  }
0x24: {  	s3 =	sadd.s32 $0x88, s3;
	s6 =	simm.s32 @!p1 $0x1082;
	[sflag:s4] =	ssyncset.s32 $0xFFFFF086  }
0x25: {  	[simem:s6], [sflag:s4] =	dma.local [hbm:s3], $0xF7A  }
0x26: {  	[smem:$0x3FA0] =	sst s1;
	(tag) =	ssettag s2;
	_ =	strace s9  }
0x27: {  	s1 =	sld [smem:$0x3FB0]  }
0x28: {  	s2 =	sld [smem:$0x3FB1]  }
0x29: {  	s4 =	sld [smem:$0x3FB3]  }
0x2a: {  	p0 =	seq.s32 s5, $0x0;
	s5 =	sld [smem:$0x3FB4]  }
0x2b: {  	s6 =	sld [smem:$0x3FB5]  }
0x2c: {  	s7 =	sld [smem:$0x3FB6]  }
0x2d: {  	s3 =	simm.s32 $0x108;
	s8 =	sld [smem:$0x3FB7]  }
0x2e: {  	s3 =	simm.s32 @!p0 $0x1082;
	s9 =	sld [smem:$0x3FB8]  }
0x2f: {  	lr =	sadd.s32 s0, s3;
	s0 =	sld [smem:$0x3FAF]  }
0x30: {  	s3 =	sld [smem:$0x3FB2]  }
0x31: {  	[smem:$0x3FBB] =	sst s10  }
0x32: {  	s10 =	sld [smem:$0x3FB9];
	_ =	sdelay $0x3  }
0x33: {  	p0 =	seq.s32 s10, $0x1;
	s10 =	sld [smem:$0x3FBB];
	_ =	sdelay $0x3  }
0x34: {  	[smem:$0x3FBB] =	sst s10  }
0x35: {  	s10 =	sld [smem:$0x3FBA];
	_ =	sdelay $0x3  }
0x36: {  	p1 =	seq.s32 s10, $0x1;
	s10 =	sld [smem:$0x3FBB];
	_ =	sdelay $0x3  }
0x37: {  	[smem:$0x3FBB] =	sst s10  }
0x38: {  	s10 =	sld [smem:$0x3FBC]  }
0x39: {  	_ = 	snop;
	(pc) =	sbr.ind lr, $3  }
0x3a: {  	_ = 	snop  }
0x3b: {  	_ = 	snop  }
0x3c: {  	p2 =	seq.s32 s10, $0x1;
	s10 =	sld [smem:$0x3FBB]  }
0x3d: {  	_ =	shalt  }
0x3e: {  	_ =	shalt  }
0x3f: {  	_ =	shalt  }
0x40: {  	_ =	shalt  }
0x41: {  	_ =	shalt  }
0x42: {  	_ =	shalt  }
0x43: {  	_ =	shalt  }
0x44: {  	_ =	shalt  }
0x45: {  	_ =	shalt  }
0x46: {  	_ =	shalt  }
0x47: {  	_ =	shalt  }
0x48: {  	_ =	shalt  }
0x49: {  	_ =	shalt  }
0x4a: {  	_ =	shalt  }
0x4b: {  	_ =	shalt  }
0x4c: {  	_ =	shalt  }
0x4d: {  	_ =	shalt  }
0x4e: {  	_ =	shalt  }
0x4f: {  	_ =	shalt  }
0x50: {  	_ =	shalt  }
0x51: {  	_ =	shalt  }
0x52: {  	_ =	shalt  }
0x53: {  	_ =	shalt  }
0x54: {  	_ =	shalt  }
0x55: {  	_ =	shalt  }
0x56: {  	_ =	shalt  }
0x57: {  	_ =	shalt  }
0x58: {  	_ =	shalt  }
0x59: {  	_ =	shalt  }
0x5a: {  	_ =	shalt  }
0x5b: {  	_ =	shalt  }
0x5c: {  	_ =	shalt  }
0x5d: {  	_ =	shalt  }
0x5e: {  	_ =	shalt  }
0x5f: {  	_ =	shalt  }
0x60: {  	_ =	shalt  }
0x61: {  	_ =	shalt  }
0x62: {  	_ =	shalt  }
0x63: {  	_ =	shalt  }
0x64: {  	_ =	shalt  }
0x65: {  	_ =	shalt  }
0x66: {  	_ =	shalt  }
0x67: {  	_ =	shalt  }
0x68: {  	_ =	shalt  }
0x69: {  	_ =	shalt  }
0x6a: {  	_ =	shalt  }
0x6b: {  	_ =	shalt  }
0x6c: {  	_ =	shalt  }
0x6d: {  	_ =	shalt  }
0x6e: {  	_ =	shalt  }
0x6f: {  	_ =	shalt  }
0x70: {  	_ =	shalt  }
0x71: {  	_ =	shalt  }
0x72: {  	_ =	shalt  }
0x73: {  	_ =	shalt  }
0x74: {  	_ =	shalt  }
0x75: {  	_ =	shalt  }
0x76: {  	_ =	shalt  }
0x77: {  	_ =	shalt  }
0x78: {  	_ =	shalt  }
0x79: {  	_ =	shalt  }
0x7a: {  	_ =	shalt  }
0x7b: {  	_ =	shalt  }
0x7c: {  	_ =	shalt  }
0x7d: {  	_ =	shalt  }
0x7e: {  	_ =	shalt  }
0x7f: {  	_ =	shalt  }
0x80: {  	_ =	shalt  }
0x81: {  	_ =	shalt  }
0x82: {  	_ =	shalt  }
0x83: {  	_ =	shalt  }
0x84: {  	_ =	shalt  }
0x85: {  	_ =	shalt  }
0x86: {  	_ =	shalt  }
0x87: {  	_ =	shalt  }
.Lfunc_end0:
.L_simem_size_0:
called_computation_lowered:
.L_overlay_start_0:
0x88: {  	s2 =	sld [smem:$0x3FD9]  }
0x89: {  	s3 =	sld [smem:$0x3FFE];
	_ =	sdelay $0x1  }
0x8a: {  	s1 =	srdreg.scid  }
0x8b: {  	s0 =	sand.u32 $0x1, s1  }
0x8c: {  	s16 =	sshll.u32 s0, $0xA;
	s2 =	sadd.s32 s3, s2  }
0x8d: {  	s2 =	sadd.s32 s2, s16  }
0x8e: {  	[smem:$0x3FC7] =	sst s2  }
0x8f: {  	_ = 	snop  }
0x90: {  	(tm) =	ssettm $0x1  }
0x91: {  	s17 =	sld [smem:$0x3FFB];
	_ =	sdelay $0x3  }
0x92: {  	_ =	strace s17  }
0x93: {  	s2 =	sld [smem:$0x3FFC];
	_ =	sdelay $0x3  }
0x94: {  	_ =	strace s2  }
0x95: {  	s2 =	sld [smem:$0x3FFD];
	_ =	sdelay $0x3  }
0x96: {  	_ =	strace s2  }
0x97: {  	_ =	strace $0x8FFFFFFF  }
0x98: {  	s18 =	sld [smem:$0x3FDB];
	_ =	sdelay $0x1  }
0x99: {  	s19 =	simm.s32 $_scs_section_size  }
0x9a: {  	s4 =	simm.s32 $_size__tile_overlayer_lowered;
	s5 =	simm.s32 $_tile_overlayer_lowered  }
0x9b: {  	s22 =	simm.s32 $0x1BFF;
	s21 =	sshll.u32 s5, $0x1;
	s2 =	sadd.s32 s19, s18  }
0x9c: {  	s6 =	simm.s32 $0x0;
	s20 =	sshll.u32 s4, $0x1;
	s4 =	sadd.s32 s21, s2  }
0x9d: {  	[timem:s6], [sflag:s22] =	dma.local [hbm:s4], s20  }
0x9e: {  	_ =	swait.ge [sflag:s22], s20  }
0x9f: {  	s3 =	ssub.s32 $0x0, s20;
	[sflag:s22] =	ssyncset.done $0x0  }
0xa0: {  	[sflag:s22] =	ssyncadd.s32 s3;
	_ =	sdelay $0x1  }
0xa1: {  	s23 =	simm.s32 $0x1B8B  }
0xa2: {  	_ =	swait.ge [sflag:s23], $0x1  }
0xa3: {  	[sflag:s23] =	ssyncset.done $0x0  }
0xa4: {  	s25 =	simm.s32 $0x1B8E;
	s24 =	sld [smem:$0x3FFE];
	[sflag:s23] =	ssyncadd.s32 $0xFFFFFFFF  }
0xa5: {  	s26 =	simm.s32 $execute0_lowered;
	[smem:$0x3FD2] =	sst s25  }
0xa6: {  	s4 =	sshll.u32 s26, $0x1;
	_ =	strace $0x80000046;
	[dreg:$0x1] =	wrdreg $0xFFFFFFFF  }
0xa7: {  	s28 =	simm.s32 $_size_execute0_lowered;
	s2 =	sadd.s32 s2, s4;
	[dreg:$0x0] =	wrdreg $0x0  }
0xa8: {  	s4 =	sshll.u32 s28, $0x1;
	[dreg:$0x2] =	wrdreg s2  }
0xa9: {  	[dreg:$0x3] =	wrdreg s4  }
0xaa: {  	[dreg:$0x4] =	wrdreg $0xC0  }
0xab: {  	_ =	task [dreg:s6], $0x5FFFF  }
0xac: {  	[dreg:$0x1] =	wrdreg $0xFFFFFFFF  }
0xad: {  	[dreg:$0x0] =	wrdreg $0x60  }
0xae: {  	[dreg:$0x2] =	wrdreg s24  }
0xaf: {  	[dreg:$0x3] =	wrdreg $0x9  }
0xb0: {  	_ =	task.clear_ibuf [dreg:s6], $0x4FFFF;
	_ =	strace $0x90000046  }
0xb1: {  	s29 =	simm.s32 $0x9;
	_ =	strace $0x80000048  }
0xb2: {  	_ =	swait.ge [sflag:s29], $0x1  }
0xb3: {  	[sflag:s29] =	ssyncadd.s32 $0xFFFFFFFF  }
0xb4: {  	_ =	strace $0x90000048  }
0xb5: {  	_ =	sfence  }
0xb6: {  	s30 =	sld [smem:$0x0];
	_ =	sdelay $0x2  }
0xb7: {  	s31 =	sshll.u32 s1, $0xD;
	s1 =	sshrl.u32 s1, $0x2  }
0xb8: {  	s3 =	sand.u32 $0x4000, s31;
	s1 =	sadd.s32 s1, s30  }
0xb9: {  	s0 =	sor.u32 s3, s0;
	s1 =	sshll.u32 s1, $0x11  }
0xba: {  	s0 =	sor.u32 s1, s0  }
0xbb: {  	s0 =	sadd.s32 $0x8F2B, s0  }
0xbc: {  	[sflag:s0] =	ssyncadd.remote.s32 $0x1  }
0xbd: {  	_ =	sfence.sel $0xFFFF  }
0xbe: {  	[dreg:$0x0] =	wrdreg $0xFFFFFFFF;
	(pc) =	sbr.abs _section_cstart, $3  }
0xbf: {  	[dreg:$0x1] =	wrdreg $0xFFFFFFFF  }
0xc0: {  	_ =	task.clear_ibuf [dreg:s6], $0x2FFFF;
	_ =	strace $0x9FFFFFFF  }
0xc1: {  	(tm) =	ssettm $0x7FFFFFFF  }
tec
execute0_lowered:
.L_overlay_start_1:
0x0: {  	(tag) =	ssettag $0x1  }
0x1: {  	s1 =	srdreg.scid  }
0x2: {  	s1 =	sand.u32 $0x1, s1  }
0x3: {  	p0 =	seq.s32 s1, $0x1  }
.Ltmp0:
0x4: {  	_ = 	snop;
	(pc) =	sbr.rel @p0 .LBB2_4-.Ltmp0, $4  }
0x5: {  	_ = 	snop  }
0x6: {  	s3 =	rddreg [dreg:$0x0];
	s2 =	simm.s32 $0x0  }
0x7: {  	[smem:$0x7FF] =	sst s2  }
0x8: {  	s0 =	rddreg [dreg:$0x1];
	_ =	strace $0x80000047;
	s1 =	stileid.u32  }
0x9: {  	s4 =	smul.u32 $0x60000, s1  }
0xa: {  	s5 =	sadd.s32 $0x400, s3  }
0xb: {  	s6 =	sadd.s32 $0x1000, s3;
	s3 =	sadd.s32 s5, s4  }
0xc: {  	[hbm4b:s3+s2] =	stream.linear.scatter [tilespmem:s2], [sflag:$0x1], $0x6000, $0x38;
	[tilespmem:$0x18000] =	vst v63  }
0xd: {  	s30 =	sadd.s32 s4, s6;
	s4 =	simm.s32 $0x6000  }
0xe: {  	[hbm4b:s30+s2] =	stream.linear.scatter [tilespmem:s4], [sflag:$0x2], $0x6000, $0x38;
	[tilespmem:$0x18000] =	vst v63  }
0xf: {  	s5 =	simm.s32 $0xC000;
	s31 =	sadd.s32 $0x1800, s3  }
0x10: {  	[hbm4b:s31+s2] =	stream.linear.scatter [tilespmem:s5], [sflag:$0x3], $0x6000, $0x38;
	[tilespmem:$0x18000] =	vst v63  }
0x11: {  	s6 =	simm.s32 $0x12000;
	s7 =	sadd.s32 $0x2400, s3  }
0x12: {  	[hbm4b:s7+s2] =	stream.linear.scatter [tilespmem:s6], [sflag:$0x4], $0x6000, $0x38;
	[tilespmem:$0x18000] =	vst v63  }
0x13: {  	s7 =	simm.s32 $0x1  }
0x14: {  	_ =	swait.ge [sflag:s7], $0x6000  }
0x15: {  	s12 =	sadd.s32 $0xFFFA3000, s3;
	[sflag:s7] =	ssyncset.done $0x0  }
0x16: {  	s8 =	simm.s32 $0x2;
	s9 =	sadd.s32 $0x60000, s12;
	[sflag:s7] =	ssyncadd.s32 $0xFFFFA000  }
0x17: {  	[hbm4b:s9+s2] =	stream.linear.scatter [tilespmem:s2], [sflag:$0x1], $0x6000, $0x38;
	[tilespmem:$0x18000] =	vst v63  }
0x18: {  	_ =	swait.ge [sflag:s8], $0x6000  }
0x19: {  	[sflag:s8] =	ssyncset.done $0x0  }
0x1a: {  	s10 =	sadd.s32 $0x60C00, s12;
	s9 =	simm.s32 $0x3;
	[sflag:s8] =	ssyncadd.s32 $0xFFFFA000  }
0x1b: {  	[hbm4b:s10+s2] =	stream.linear.scatter [tilespmem:s4], [sflag:$0x2], $0x6000, $0x38;
	[tilespmem:$0x18000] =	vst v63  }
0x1c: {  	_ =	swait.ge [sflag:s9], $0x6000  }
0x1d: {  	[sflag:s9] =	ssyncset.done $0x0  }
0x1e: {  	s11 =	sadd.s32 $0x61800, s12;
	s10 =	simm.s32 $0x4;
	[sflag:s9] =	ssyncadd.s32 $0xFFFFA000  }
0x1f: {  	[hbm4b:s11+s2] =	stream.linear.scatter [tilespmem:s5], [sflag:$0x3], $0x6000, $0x38;
	[tilespmem:$0x18000] =	vst v63  }
0x20: {  	_ =	swait.ge [sflag:s10], $0x6000  }
0x21: {  	[sflag:s10] =	ssyncset.done $0x0  }
0x22: {  	s12 =	sadd.s32 $0x62400, s12;
	s11 =	simm.s32 $0xFFFA6000;
	[sflag:s10] =	ssyncadd.s32 $0xFFFFA000  }
.LBB2_2:
0x23: {  	[hbm4b:s12+s2] =	stream.linear.scatter [tilespmem:s6], [sflag:$0x4], $0x6000, $0x38;
	[tilespmem:$0x18000] =	vst v63  }
0x24: {  	s12 =	smov.u32 s11  }
0x25: {  	p0 =	sne.s32 s11, $0xFFFFD000;
	s11 =	sadd.s32 $0x3000, s11;
	_ =	swait.ge [sflag:s7], $0x6000  }
0x26: {  	s12 =	sadd.s32 s12, s3;
	[sflag:s7] =	ssyncset.done $0x0  }
0x27: {  	s13 =	sadd.s32 $0x60000, s12;
	[sflag:s7] =	ssyncadd.s32 $0xFFFFA000  }
0x28: {  	[hbm4b:s13+s2] =	stream.linear.scatter [tilespmem:s2], [sflag:$0x1], $0x6000, $0x38;
	[tilespmem:$0x18000] =	vst v63  }
0x29: {  	_ =	swait.ge [sflag:s8], $0x6000  }
0x2a: {  	[sflag:s8] =	ssyncset.done $0x0  }
0x2b: {  	s13 =	sadd.s32 $0x60C00, s12;
	[sflag:s8] =	ssyncadd.s32 $0xFFFFA000  }
0x2c: {  	[hbm4b:s13+s2] =	stream.linear.scatter [tilespmem:s4], [sflag:$0x2], $0x6000, $0x38;
	[tilespmem:$0x18000] =	vst v63  }
0x2d: {  	_ =	swait.ge [sflag:s9], $0x6000  }
0x2e: {  	[sflag:s9] =	ssyncset.done $0x0  }
.Ltmp1:
0x2f: {  	s13 =	sadd.s32 $0x61800, s12;
	[sflag:s9] =	ssyncadd.s32 $0xFFFFA000;
	(pc) =	sbr.rel @p0 .LBB2_2-.Ltmp1, $4  }
0x30: {  	[hbm4b:s13+s2] =	stream.linear.scatter [tilespmem:s5], [sflag:$0x3], $0x6000, $0x38;
	[tilespmem:$0x18000] =	vst v63  }
0x31: {  	_ =	swait.ge [sflag:s10], $0x6000  }
0x32: {  	[sflag:s10] =	ssyncset.done $0x0  }
0x33: {  	s12 =	sadd.s32 $0x62400, s12;
	[sflag:s10] =	ssyncadd.s32 $0xFFFFA000  }
0x34: {  	[hbm4b:s12+s2] =	stream.linear.scatter [tilespmem:s6], [sflag:$0x4], $0x6000, $0x38;
	[tilespmem:$0x18000] =	vst v63  }
0x35: {  	s28 =	simm.s32 $0x1  }
0x36: {  	_ =	swait.ge [sflag:s28], $0x6000  }
0x37: {  	[sflag:s28] =	ssyncset.done $0x0  }
0x38: {  	s29 =	simm.s32 $0x2;
	[sflag:s28] =	ssyncadd.s32 $0xFFFFA000  }
0x39: {  	_ =	swait.ge [sflag:s29], $0x6000  }
0x3a: {  	[sflag:s29] =	ssyncset.done $0x0  }
0x3b: {  	s30 =	simm.s32 $0x3;
	[sflag:s29] =	ssyncadd.s32 $0xFFFFA000  }
0x3c: {  	_ =	swait.ge [sflag:s30], $0x6000  }
0x3d: {  	[sflag:s30] =	ssyncset.done $0x0  }
0x3e: {  	s31 =	simm.s32 $0x4;
	[sflag:s30] =	ssyncadd.s32 $0xFFFFA000  }
0x3f: {  	_ =	swait.ge [sflag:s31], $0x6000  }
0x40: {  	[sflag:s31] =	ssyncset.done $0x0  }
0x41: {  	[sflag:s31] =	ssyncadd.s32 $0xFFFFA000  }
.LBB2_4:
0x42: {  	_ =	sfence.sel $0x180000  }
0x43: {  	[bflag:$0x0] =	sbarrier.arrive $0xFFFF  }
0x44: {  	p0 =	sne.s32 s1, $0x0;
	_ =	strace $0x90000047  }
0x45: {  	s0 =	sadd.s32 @!p0 $0x100000, s0;
	[bflag:$0x2] =	sbarrier.arrive $0xFFFF  }
0x46: {  	[sflag:s0] =	ssyncadd.tile.s32 @!p0 $0x1;
	_ =	shalt  }
.Lfunc_end2:
_tile_overlayer_lowered:
.L_overlay_start_2:
0x47: {  	(tag) =	ssettag $0x2  }
0x48: {  	s0 =	rddreg [dreg:$0x0];
	s2 =	stileid.u32  }
0x49: {  	s1 =	rddreg [dreg:$0x1];
	p0 =	sne.s32 s2, $0x0  }
0x4a: {  	s3 =	rddreg [dreg:$0x2];
	[bflag:$0x3] =	sbarrier.arrive $0xFFFF;
	s2 =	simm.s32 @!p0 $0x1C05  }
0x4b: {  	[timem:s3], [sflag:s2] =	dma.local @!p0 [hbm:s0], s1  }
0x4c: {  	s0 =	simm.s32 @!p0 $0x5  }
0x4d: {  	_ =	swait.ge @!p0 [sflag:s0], s1  }
0x4e: {  	s1 =	ssub.s32 @!p0 $0x0, s1;
	[sflag:s0] =	ssyncset.done @!p0 $0x0  }
0x4f: {  	[sflag:s0] =	ssyncadd.s32 @!p0 s1  }
0x50: {  	[bflag:$0x3] =	sbarrier.arrive $0xFFFF  }
0x51: {  	_ =	shalt  }

</sc_bundles>
